<compile_context>
chip_gen: v7x
topology: tpu7x:2x2x1
jax: 0.10.2.dev20260603
libtpu: 0.0.44.dev20260713+nightly
codegen_flags: <defaults>
</compile_context>

<pallas_src>
import functools

import jax
import jax.numpy as jnp
from jax import lax
from jax.experimental import pallas as pl
from jax.experimental.pallas import tpu as pltpu
from jax.experimental.pallas import tpu_sc as plsc

_NC = 2
_NS = 16
_NW = _NC * _NS
_LANES = 16


def _table_body(embt_ref, w2_ref, b2_ref, wout_ref, bout_ref, s_ref):
    v = lax.dot_general(
        wout_ref[...], w2_ref[...], (((1,), (0,)), ((), ())),
        preferred_element_type=jnp.float32,
        precision=lax.Precision.HIGHEST,
    )
    c = lax.dot_general(
        wout_ref[...], b2_ref[...], (((1,), (1,)), ((), ())),
        preferred_element_type=jnp.float32,
        precision=lax.Precision.HIGHEST,
    )
    s = lax.dot_general(
        v, embt_ref[...], (((1,), (0,)), ((), ())),
        preferred_element_type=jnp.float32,
        precision=lax.Precision.HIGHEST,
    )
    s_ref[pl.ds(0, s.shape[1])] = (s + c + bout_ref[...])[0]


def _make_gather(f, b, vpad, rows_per_w, unroll):
    mesh = plsc.VectorSubcoreMesh(core_axis_name="c", subcore_axis_name="s")
    active = f // rows_per_w

    @functools.partial(
        pl.kernel,
        out_type=jax.ShapeDtypeStruct((f * b,), jnp.float32),
        mesh=mesh,
        scratch_types=[
            pltpu.VMEM((1, b), jnp.int32),
            pltpu.VMEM((1, b), jnp.int32),
            pltpu.VMEM((b,), jnp.float32),
            pltpu.VMEM((b,), jnp.float32),
            pltpu.VMEM((vpad,), jnp.float32),
            pltpu.SemaphoreType.DMA,
            pltpu.SemaphoreType.DMA,
            pltpu.SemaphoreType.DMA,
            pltpu.SemaphoreType.DMA,
        ],
        compiler_params=pltpu.CompilerParams(needs_layout_passes=False),
    )
    def gather_kernel(table_hbm, xt_hbm, out_hbm, idx_a, idx_b, out_a, out_b,
                      table_v, sem_ia, sem_ib, sem_oa, sem_ob):
        wid = lax.axis_index("s") * _NC + lax.axis_index("c")
        row0 = wid * rows_per_w
        idx_bufs, out_bufs = (idx_a, idx_b), (out_a, out_b)
        sem_in, sem_out = (sem_ia, sem_ib), (sem_oa, sem_ob)

        @pl.when(wid < active)
        def _():
            pltpu.sync_copy(table_hbm, table_v)
            in_h = [None] * rows_per_w
            out_h = [None] * rows_per_w
            in_h[0] = pltpu.async_copy(
                xt_hbm.at[pl.ds(row0, 1)], idx_bufs[0], sem_in[0])
            for k in range(rows_per_w):
                bf = k % 2
                if k + 1 < rows_per_w:
                    in_h[k + 1] = pltpu.async_copy(
                        xt_hbm.at[pl.ds(row0 + k + 1, 1)],
                        idx_bufs[1 - bf], sem_in[1 - bf])
                in_h[k].wait()
                if k >= 2:
                    out_h[k - 2].wait()
                idx_v, out_v = idx_bufs[bf], out_bufs[bf]

                @plsc.parallel_loop(0, b, step=_LANES, unroll=unroll)
                def _(o):
                    idx = idx_v[0, pl.ds(o, _LANES)]
                    out_v[pl.ds(o, _LANES)] = plsc.load_gather(table_v, [idx])

                out_h[k] = pltpu.async_copy(
                    out_v, out_hbm.at[pl.ds((row0 + k) * b, b)], sem_out[bf])
            out_h[rows_per_w - 2].wait()
            out_h[rows_per_w - 1].wait()

    return gather_kernel


def kernel(x, emb, W2, bias2, Wout, bias_out):
    B, F = x.shape
    V, E = emb.shape
    vpad = ((V + 127) // 128) * 128

    table = pl.pallas_call(
        _table_body,
        out_shape=jax.ShapeDtypeStruct((vpad,), jnp.float32),
    )(emb.T, W2, bias2.reshape(1, -1), Wout, bias_out.reshape(1, 1))

    xt = x.T.astype(jnp.int32)
    rows_per_w = max(1, F // _NW)
    while F % rows_per_w:
        rows_per_w += 1
    out_flat = _make_gather(F, B, vpad, rows_per_w, 8)(table, xt)
    return jnp.transpose(out_flat.reshape(F, 1, B), (2, 0, 1))

# --- scband reference (transcript-rebuilt; emitter-appended) ---
"""Pipeline reference for scband-deep-latent-nn-77919296684366 (READ-ONLY COPY).

The authoritative reference and input builder live on the scoring server;
editing this copy changes nothing except your own understanding.
"""

import jax, jax.numpy as jnp
import numpy as np

VOCAB = 757
EMB = 50
H1 = 30

def setup_inputs(seed: int = 0) -> dict:
    key = jax.random.key(seed)
    k1, k2, k3, k4, k5, k6 = jax.random.split(key, 6)
    x = jax.random.randint(k1, (16384, 100), 0, VOCAB, dtype=jnp.int64) if jax.config.jax_enable_x64 else jax.random.randint(k1, (16384, 100), 0, VOCAB, dtype=jnp.int32)
    # nn.Embedding init: N(0,1)
    emb = jax.random.normal(k2, (VOCAB, EMB), dtype=jnp.float32)
    # nn.Linear init: U(-1/sqrt(fan_in), 1/sqrt(fan_in))
    b1 = 1.0 / np.sqrt(EMB)
    W2 = jax.random.uniform(k3, (H1, EMB), minval=-b1, maxval=b1, dtype=jnp.float32)
    bias2 = jax.random.uniform(k4, (H1,), minval=-b1, maxval=b1, dtype=jnp.float32)
    b2 = 1.0 / np.sqrt(H1)
    Wout = jax.random.uniform(k5, (1, H1), minval=-b2, maxval=b2, dtype=jnp.float32)
    bias_out = jax.random.uniform(k6, (1,), minval=-b2, maxval=b2, dtype=jnp.float32)
    return {"x": x, "emb": emb, "W2": W2, "bias2": bias2, "Wout": Wout, "bias_out": bias_out}

def reference(x, emb, W2, bias2, Wout, bias_out):
    # x_h = self.layer1(x)  -> embedding gather
    x_h = jnp.take(emb, x, axis=0)            # [B, F, 50]
    # x_h2 = self.layer2(x_h)
    x_h2 = x_h @ W2.T + bias2                  # [B, F, 30]
    # preds = self.layerOut(x_h2)
    preds = x_h2 @ Wout.T + bias_out           # [B, F, 1]
    return preds

if __name__ == "__main__":
    import jax
    _d = setup_inputs()
    print(jax.jit(kernel)(*tuple(_d.values())))

</pallas_src>

<mosaic_0001>
#map = affine_map<(d0, d1) -> (0)>
#map1 = affine_map<(d0, d1) -> (0, 0)>
module attributes {stable_mosaic.version = 14 : i64} {
  func.func @gather_kernel(%arg0: i32, %arg1: i32, %arg2: memref<768xf32, #tpu.memory_space<hbm>>, %arg3: memref<100x16384xi32, #tpu.memory_space<hbm>>, %arg4: memref<1638400xf32, #tpu.memory_space<hbm>>, %arg5: memref<1x16384xi32, #tpu.memory_space<vmem>>, %arg6: memref<1x16384xi32, #tpu.memory_space<vmem>>, %arg7: memref<16384xf32, #tpu.memory_space<vmem>>, %arg8: memref<16384xf32, #tpu.memory_space<vmem>>, %arg9: memref<768xf32, #tpu.memory_space<vmem>>, %arg10: memref<!tpu.dma_semaphore, #tpu.memory_space<semaphore_mem>>, %arg11: memref<!tpu.dma_semaphore, #tpu.memory_space<semaphore_mem>>, %arg12: memref<!tpu.dma_semaphore, #tpu.memory_space<semaphore_mem>>, %arg13: memref<!tpu.dma_semaphore, #tpu.memory_space<semaphore_mem>>) attributes {dimension_semantics = [#tpu.dimension_semantics<core_parallel>, #tpu.dimension_semantics<subcore_parallel>], iteration_bounds = array<i64: 2, 16>, scalar_prefetch = 0 : i64, scratch_operands = 9 : i64, tpu.core_type = #tpu.core_type<sc_vector_subcore>, window_params = [{transform_indices = #map}, {transform_indices = #map1}, {transform_indices = #map}]} {
    %mul3A = arith.constant 2 : i32
    %mul3A_0 = arith.muli %arg1, %mul3A : i32
    %add3A = arith.addi %mul3A_0, %arg0 : i32
    %mul3A_1 = arith.constant 4 : i32
    %mul3A_2 = arith.muli %add3A, %mul3A_1 : i32
    %lt3A = arith.constant 25 : i32
    %lt3A_3 = arith.cmpi slt, %add3A, %lt3A : i32
    %convert_element_type3A = arith.extui %lt3A_3 : i1 to i32
    %cond3A = arith.constant 0 : i32
    %cond3A_4 = arith.cmpi ne, %convert_element_type3A, %cond3A : i32
    scf.if %cond3A_4 {
      "tpu.region"() ({
        %run_scoped3A = tpu.sem_alloc : memref<!tpu.dma_semaphore, #tpu.memory_space<semaphore_mem>>
        tpu.enqueue_dma source(%arg2 : memref<768xf32, #tpu.memory_space<hbm>>) target(%arg9 : memref<768xf32, #tpu.memory_space<vmem>>) target_semaphore(%run_scoped3A : memref<!tpu.dma_semaphore, #tpu.memory_space<semaphore_mem>>)
        tpu.wait_dma2 semaphore(%run_scoped3A : memref<!tpu.dma_semaphore, #tpu.memory_space<semaphore_mem>>) src(%arg2 : memref<768xf32, #tpu.memory_space<hbm>>) dst(%arg9 : memref<768xf32, #tpu.memory_space<vmem>>)
        tpu.yield
      }) : () -> ()
      %dma_start3A = arith.constant 0 : i32
      %dma_start3A_5 = tpu.memref_slice %arg3[%mul3A_2, %dma_start3A] : memref<100x16384xi32, #tpu.memory_space<hbm>> -> memref<1x16384xi32, #tpu.memory_space<hbm>>
      %dma_start3A_6 = arith.constant 0 : i32
      %dma_start3A_7 = tpu.memref_slice %arg3[%mul3A_2, %dma_start3A_6] : memref<100x16384xi32, #tpu.memory_space<hbm>> -> memref<1x16384xi32, #tpu.memory_space<hbm>>
      tpu.enqueue_dma source(%dma_start3A_7 : memref<1x16384xi32, #tpu.memory_space<hbm>>) target(%arg5 : memref<1x16384xi32, #tpu.memory_space<vmem>>) target_semaphore(%arg10 : memref<!tpu.dma_semaphore, #tpu.memory_space<semaphore_mem>>)
      %add3A_8 = arith.constant 0 : i32
      %add3A_9 = arith.addi %mul3A_2, %add3A_8 : i32
      %add3A_10 = arith.constant 1 : i32
      %add3A_11 = arith.addi %add3A_9, %add3A_10 : i32
      %dma_start3A_12 = arith.constant 0 : i32
      %dma_start3A_13 = tpu.memref_slice %arg3[%add3A_11, %dma_start3A_12] : memref<100x16384xi32, #tpu.memory_space<hbm>> -> memref<1x16384xi32, #tpu.memory_space<hbm>>
      %dma_start3A_14 = arith.constant 0 : i32
      %dma_start3A_15 = tpu.memref_slice %arg3[%add3A_11, %dma_start3A_14] : memref<100x16384xi32, #tpu.memory_space<hbm>> -> memref<1x16384xi32, #tpu.memory_space<hbm>>
      tpu.enqueue_dma source(%dma_start3A_15 : memref<1x16384xi32, #tpu.memory_space<hbm>>) target(%arg6 : memref<1x16384xi32, #tpu.memory_space<vmem>>) target_semaphore(%arg11 : memref<!tpu.dma_semaphore, #tpu.memory_space<semaphore_mem>>)
      %dma_wait3A = arith.constant 0 : i32
      %dma_wait3A_16 = tpu.memref_slice %arg3[%mul3A_2, %dma_wait3A] : memref<100x16384xi32, #tpu.memory_space<hbm>> -> memref<1x16384xi32, #tpu.memory_space<hbm>>
      %dma_wait3A_17 = arith.constant 0 : i32
      %dma_wait3A_18 = tpu.memref_slice %arg3[%mul3A_2, %dma_wait3A_17] : memref<100x16384xi32, #tpu.memory_space<hbm>> -> memref<1x16384xi32, #tpu.memory_space<hbm>>
      tpu.wait_dma2 semaphore(%arg10 : memref<!tpu.dma_semaphore, #tpu.memory_space<semaphore_mem>>) src(%dma_wait3A_18 : memref<1x16384xi32, #tpu.memory_space<hbm>>) dst(%arg5 : memref<1x16384xi32, #tpu.memory_space<vmem>>)
      %parallel_loop3A = arith.constant 0 : i32
      %parallel_loop3A_19 = arith.constant 16384 : i32
      %parallel_loop3A_20 = arith.constant 16 : i32
      scf.for %parallel_loop3A_90 = %parallel_loop3A to %parallel_loop3A_19 step %parallel_loop3A_20  : i32 {
        %parallel_loop3A_91 = arith.constant 0 : i32
        %parallel_loop3A_92 = arith.index_cast %parallel_loop3A_91 : i32 to index
        %parallel_loop3A_93 = arith.index_cast %parallel_loop3A_90 : i32 to index
        %parallel_loop3A_94 = tpu.vector_load %arg5[%parallel_loop3A_92, %parallel_loop3A_93] {strides = array<i32>} : memref<1x16384xi32, #tpu.memory_space<vmem>>, vector<16xi32>,
        %parallel_loop3A_95 = tpu.vector_load_idx %arg9[%parallel_loop3A_94] : memref<768xf32, #tpu.memory_space<vmem>>[vector<16xi32>], vector<16xf32>,
        %parallel_loop3A_96 = arith.index_cast %parallel_loop3A_90 : i32 to index
        %parallel_loop3A_97 = tpu.vector_load %arg7[%parallel_loop3A_96] {strides = array<i32>} : memref<16384xf32, #tpu.memory_space<vmem>>, vector<16xf32>,
        tpu.vector_store %arg7[%parallel_loop3A_96], %parallel_loop3A_95 {strides = array<i32>} : memref<16384xf32, #tpu.memory_space<vmem>>, vector<16xf32>,
      } {sc.loop_unroll_factor = 8 : i64, sc.parallel_access}
      %add3A_21 = arith.constant 0 : i32
      %add3A_22 = arith.addi %mul3A_2, %add3A_21 : i32
      %mul3A_23 = arith.constant 16384 : i32
      %mul3A_24 = arith.muli %add3A_22, %mul3A_23 : i32
      %dma_start3A_25 = tpu.memref_slice %arg4[%mul3A_24] : memref<1638400xf32, #tpu.memory_space<hbm>> -> memref<16384xf32, #tpu.memory_space<hbm>>
      %dma_start3A_26 = tpu.memref_slice %arg4[%mul3A_24] : memref<1638400xf32, #tpu.memory_space<hbm>> -> memref<16384xf32, #tpu.memory_space<hbm>>
      tpu.enqueue_dma source(%arg7 : memref<16384xf32, #tpu.memory_space<vmem>>) target(%dma_start3A_26 : memref<16384xf32, #tpu.memory_space<hbm>>) target_semaphore(%arg12 : memref<!tpu.dma_semaphore, #tpu.memory_space<semaphore_mem>>)
      %add3A_27 = arith.constant 1 : i32
      %add3A_28 = arith.addi %mul3A_2, %add3A_27 : i32
      %add3A_29 = arith.constant 1 : i32
      %add3A_30 = arith.addi %add3A_28, %add3A_29 : i32
      %dma_start3A_31 = arith.constant 0 : i32
      %dma_start3A_32 = tpu.memref_slice %arg3[%add3A_30, %dma_start3A_31] : memref<100x16384xi32, #tpu.memory_space<hbm>> -> memref<1x16384xi32, #tpu.memory_space<hbm>>
      %dma_start3A_33 = arith.constant 0 : i32
      %dma_start3A_34 = tpu.memref_slice %arg3[%add3A_30, %dma_start3A_33] : memref<100x16384xi32, #tpu.memory_space<hbm>> -> memref<1x16384xi32, #tpu.memory_space<hbm>>
      tpu.enqueue_dma source(%dma_start3A_34 : memref<1x16384xi32, #tpu.memory_space<hbm>>) target(%arg5 : memref<1x16384xi32, #tpu.memory_space<vmem>>) target_semaphore(%arg10 : memref<!tpu.dma_semaphore, #tpu.memory_space<semaphore_mem>>)
      %dma_wait3A_35 = arith.constant 0 : i32
      %dma_wait3A_36 = tpu.memref_slice %arg3[%add3A_11, %dma_wait3A_35] : memref<100x16384xi32, #tpu.memory_space<hbm>> -> memref<1x16384xi32, #tpu.memory_space<hbm>>
      %dma_wait3A_37 = arith.constant 0 : i32
      %dma_wait3A_38 = tpu.memref_slice %arg3[%add3A_11, %dma_wait3A_37] : memref<100x16384xi32, #tpu.memory_space<hbm>> -> memref<1x16384xi32, #tpu.memory_space<hbm>>
      tpu.wait_dma2 semaphore(%arg11 : memref<!tpu.dma_semaphore, #tpu.memory_space<semaphore_mem>>) src(%dma_wait3A_38 : memref<1x16384xi32, #tpu.memory_space<hbm>>) dst(%arg6 : memref<1x16384xi32, #tpu.memory_space<vmem>>)
      %parallel_loop3A_39 = arith.constant 0 : i32
      %parallel_loop3A_40 = arith.constant 16384 : i32
      %parallel_loop3A_41 = arith.constant 16 : i32
      scf.for %parallel_loop3A_90 = %parallel_loop3A_39 to %parallel_loop3A_40 step %parallel_loop3A_41  : i32 {
        %parallel_loop3A_91 = arith.constant 0 : i32
        %parallel_loop3A_92 = arith.index_cast %parallel_loop3A_91 : i32 to index
        %parallel_loop3A_93 = arith.index_cast %parallel_loop3A_90 : i32 to index
        %parallel_loop3A_94 = tpu.vector_load %arg6[%parallel_loop3A_92, %parallel_loop3A_93] {strides = array<i32>} : memref<1x16384xi32, #tpu.memory_space<vmem>>, vector<16xi32>,
        %parallel_loop3A_95 = tpu.vector_load_idx %arg9[%parallel_loop3A_94] : memref<768xf32, #tpu.memory_space<vmem>>[vector<16xi32>], vector<16xf32>,
        %parallel_loop3A_96 = arith.index_cast %parallel_loop3A_90 : i32 to index
        %parallel_loop3A_97 = tpu.vector_load %arg8[%parallel_loop3A_96] {strides = array<i32>} : memref<16384xf32, #tpu.memory_space<vmem>>, vector<16xf32>,
        tpu.vector_store %arg8[%parallel_loop3A_96], %parallel_loop3A_95 {strides = array<i32>} : memref<16384xf32, #tpu.memory_space<vmem>>, vector<16xf32>,
      } {sc.loop_unroll_factor = 8 : i64, sc.parallel_access}
      %add3A_42 = arith.constant 1 : i32
      %add3A_43 = arith.addi %mul3A_2, %add3A_42 : i32
      %mul3A_44 = arith.constant 16384 : i32
      %mul3A_45 = arith.muli %add3A_43, %mul3A_44 : i32
      %dma_start3A_46 = tpu.memref_slice %arg4[%mul3A_45] : memref<1638400xf32, #tpu.memory_space<hbm>> -> memref<16384xf32, #tpu.memory_space<hbm>>
      %dma_start3A_47 = tpu.memref_slice %arg4[%mul3A_45] : memref<1638400xf32, #tpu.memory_space<hbm>> -> memref<16384xf32, #tpu.memory_space<hbm>>
      tpu.enqueue_dma source(%arg8 : memref<16384xf32, #tpu.memory_space<vmem>>) target(%dma_start3A_47 : memref<16384xf32, #tpu.memory_space<hbm>>) target_semaphore(%arg13 : memref<!tpu.dma_semaphore, #tpu.memory_space<semaphore_mem>>)
      %add3A_48 = arith.constant 2 : i32
      %add3A_49 = arith.addi %mul3A_2, %add3A_48 : i32
      %add3A_50 = arith.constant 1 : i32
      %add3A_51 = arith.addi %add3A_49, %add3A_50 : i32
      %dma_start3A_52 = arith.constant 0 : i32
      %dma_start3A_53 = tpu.memref_slice %arg3[%add3A_51, %dma_start3A_52] : memref<100x16384xi32, #tpu.memory_space<hbm>> -> memref<1x16384xi32, #tpu.memory_space<hbm>>
      %dma_start3A_54 = arith.constant 0 : i32
      %dma_start3A_55 = tpu.memref_slice %arg3[%add3A_51, %dma_start3A_54] : memref<100x16384xi32, #tpu.memory_space<hbm>> -> memref<1x16384xi32, #tpu.memory_space<hbm>>
      tpu.enqueue_dma source(%dma_start3A_55 : memref<1x16384xi32, #tpu.memory_space<hbm>>) target(%arg6 : memref<1x16384xi32, #tpu.memory_space<vmem>>) target_semaphore(%arg11 : memref<!tpu.dma_semaphore, #tpu.memory_space<semaphore_mem>>)
      %dma_wait3A_56 = arith.constant 0 : i32
      %dma_wait3A_57 = tpu.memref_slice %arg3[%add3A_30, %dma_wait3A_56] : memref<100x16384xi32, #tpu.memory_space<hbm>> -> memref<1x16384xi32, #tpu.memory_space<hbm>>
      %dma_wait3A_58 = arith.constant 0 : i32
      %dma_wait3A_59 = tpu.memref_slice %arg3[%add3A_30, %dma_wait3A_58] : memref<100x16384xi32, #tpu.memory_space<hbm>> -> memref<1x16384xi32, #tpu.memory_space<hbm>>
      tpu.wait_dma2 semaphore(%arg10 : memref<!tpu.dma_semaphore, #tpu.memory_space<semaphore_mem>>) src(%dma_wait3A_59 : memref<1x16384xi32, #tpu.memory_space<hbm>>) dst(%arg5 : memref<1x16384xi32, #tpu.memory_space<vmem>>)
      %dma_wait3A_60 = tpu.memref_slice %arg4[%mul3A_24] : memref<1638400xf32, #tpu.memory_space<hbm>> -> memref<16384xf32, #tpu.memory_space<hbm>>
      %dma_wait3A_61 = tpu.memref_slice %arg4[%mul3A_24] : memref<1638400xf32, #tpu.memory_space<hbm>> -> memref<16384xf32, #tpu.memory_space<hbm>>
      tpu.wait_dma2 semaphore(%arg12 : memref<!tpu.dma_semaphore, #tpu.memory_space<semaphore_mem>>) src(%arg7 : memref<16384xf32, #tpu.memory_space<vmem>>) dst(%dma_wait3A_61 : memref<16384xf32, #tpu.memory_space<hbm>>)
      %parallel_loop3A_62 = arith.constant 0 : i32
      %parallel_loop3A_63 = arith.constant 16384 : i32
      %parallel_loop3A_64 = arith.constant 16 : i32
      scf.for %parallel_loop3A_90 = %parallel_loop3A_62 to %parallel_loop3A_63 step %parallel_loop3A_64  : i32 {
        %parallel_loop3A_91 = arith.constant 0 : i32
        %parallel_loop3A_92 = arith.index_cast %parallel_loop3A_91 : i32 to index
        %parallel_loop3A_93 = arith.index_cast %parallel_loop3A_90 : i32 to index
        %parallel_loop3A_94 = tpu.vector_load %arg5[%parallel_loop3A_92, %parallel_loop3A_93] {strides = array<i32>} : memref<1x16384xi32, #tpu.memory_space<vmem>>, vector<16xi32>,
        %parallel_loop3A_95 = tpu.vector_load_idx %arg9[%parallel_loop3A_94] : memref<768xf32, #tpu.memory_space<vmem>>[vector<16xi32>], vector<16xf32>,
        %parallel_loop3A_96 = arith.index_cast %parallel_loop3A_90 : i32 to index
        %parallel_loop3A_97 = tpu.vector_load %arg7[%parallel_loop3A_96] {strides = array<i32>} : memref<16384xf32, #tpu.memory_space<vmem>>, vector<16xf32>,
        tpu.vector_store %arg7[%parallel_loop3A_96], %parallel_loop3A_95 {strides = array<i32>} : memref<16384xf32, #tpu.memory_space<vmem>>, vector<16xf32>,
      } {sc.loop_unroll_factor = 8 : i64, sc.parallel_access}
      %add3A_65 = arith.constant 2 : i32
      %add3A_66 = arith.addi %mul3A_2, %add3A_65 : i32
      %mul3A_67 = arith.constant 16384 : i32
      %mul3A_68 = arith.muli %add3A_66, %mul3A_67 : i32
      %dma_start3A_69 = tpu.memref_slice %arg4[%mul3A_68] : memref<1638400xf32, #tpu.memory_space<hbm>> -> memref<16384xf32, #tpu.memory_space<hbm>>
      %dma_start3A_70 = tpu.memref_slice %arg4[%mul3A_68] : memref<1638400xf32, #tpu.memory_space<hbm>> -> memref<16384xf32, #tpu.memory_space<hbm>>
      tpu.enqueue_dma source(%arg7 : memref<16384xf32, #tpu.memory_space<vmem>>) target(%dma_start3A_70 : memref<16384xf32, #tpu.memory_space<hbm>>) target_semaphore(%arg12 : memref<!tpu.dma_semaphore, #tpu.memory_space<semaphore_mem>>)
      %dma_wait3A_71 = arith.constant 0 : i32
      %dma_wait3A_72 = tpu.memref_slice %arg3[%add3A_51, %dma_wait3A_71] : memref<100x16384xi32, #tpu.memory_space<hbm>> -> memref<1x16384xi32, #tpu.memory_space<hbm>>
      %dma_wait3A_73 = arith.constant 0 : i32
      %dma_wait3A_74 = tpu.memref_slice %arg3[%add3A_51, %dma_wait3A_73] : memref<100x16384xi32, #tpu.memory_space<hbm>> -> memref<1x16384xi32, #tpu.memory_space<hbm>>
      tpu.wait_dma2 semaphore(%arg11 : memref<!tpu.dma_semaphore, #tpu.memory_space<semaphore_mem>>) src(%dma_wait3A_74 : memref<1x16384xi32, #tpu.memory_space<hbm>>) dst(%arg6 : memref<1x16384xi32, #tpu.memory_space<vmem>>)
      %dma_wait3A_75 = tpu.memref_slice %arg4[%mul3A_45] : memref<1638400xf32, #tpu.memory_space<hbm>> -> memref<16384xf32, #tpu.memory_space<hbm>>
      %dma_wait3A_76 = tpu.memref_slice %arg4[%mul3A_45] : memref<1638400xf32, #tpu.memory_space<hbm>> -> memref<16384xf32, #tpu.memory_space<hbm>>
      tpu.wait_dma2 semaphore(%arg13 : memref<!tpu.dma_semaphore, #tpu.memory_space<semaphore_mem>>) src(%arg8 : memref<16384xf32, #tpu.memory_space<vmem>>) dst(%dma_wait3A_76 : memref<16384xf32, #tpu.memory_space<hbm>>)
      %parallel_loop3A_77 = arith.constant 0 : i32
      %parallel_loop3A_78 = arith.constant 16384 : i32
      %parallel_loop3A_79 = arith.constant 16 : i32
      scf.for %parallel_loop3A_90 = %parallel_loop3A_77 to %parallel_loop3A_78 step %parallel_loop3A_79  : i32 {
        %parallel_loop3A_91 = arith.constant 0 : i32
        %parallel_loop3A_92 = arith.index_cast %parallel_loop3A_91 : i32 to index
        %parallel_loop3A_93 = arith.index_cast %parallel_loop3A_90 : i32 to index
        %parallel_loop3A_94 = tpu.vector_load %arg6[%parallel_loop3A_92, %parallel_loop3A_93] {strides = array<i32>} : memref<1x16384xi32, #tpu.memory_space<vmem>>, vector<16xi32>,
        %parallel_loop3A_95 = tpu.vector_load_idx %arg9[%parallel_loop3A_94] : memref<768xf32, #tpu.memory_space<vmem>>[vector<16xi32>], vector<16xf32>,
        %parallel_loop3A_96 = arith.index_cast %parallel_loop3A_90 : i32 to index
        %parallel_loop3A_97 = tpu.vector_load %arg8[%parallel_loop3A_96] {strides = array<i32>} : memref<16384xf32, #tpu.memory_space<vmem>>, vector<16xf32>,
        tpu.vector_store %arg8[%parallel_loop3A_96], %parallel_loop3A_95 {strides = array<i32>} : memref<16384xf32, #tpu.memory_space<vmem>>, vector<16xf32>,
      } {sc.loop_unroll_factor = 8 : i64, sc.parallel_access}
      %add3A_80 = arith.constant 3 : i32
      %add3A_81 = arith.addi %mul3A_2, %add3A_80 : i32
      %mul3A_82 = arith.constant 16384 : i32
      %mul3A_83 = arith.muli %add3A_81, %mul3A_82 : i32
      %dma_start3A_84 = tpu.memref_slice %arg4[%mul3A_83] : memref<1638400xf32, #tpu.memory_space<hbm>> -> memref<16384xf32, #tpu.memory_space<hbm>>
      %dma_start3A_85 = tpu.memref_slice %arg4[%mul3A_83] : memref<1638400xf32, #tpu.memory_space<hbm>> -> memref<16384xf32, #tpu.memory_space<hbm>>
      tpu.enqueue_dma source(%arg8 : memref<16384xf32, #tpu.memory_space<vmem>>) target(%dma_start3A_85 : memref<16384xf32, #tpu.memory_space<hbm>>) target_semaphore(%arg13 : memref<!tpu.dma_semaphore, #tpu.memory_space<semaphore_mem>>)
      %dma_wait3A_86 = tpu.memref_slice %arg4[%mul3A_68] : memref<1638400xf32, #tpu.memory_space<hbm>> -> memref<16384xf32, #tpu.memory_space<hbm>>
      %dma_wait3A_87 = tpu.memref_slice %arg4[%mul3A_68] : memref<1638400xf32, #tpu.memory_space<hbm>> -> memref<16384xf32, #tpu.memory_space<hbm>>
      tpu.wait_dma2 semaphore(%arg12 : memref<!tpu.dma_semaphore, #tpu.memory_space<semaphore_mem>>) src(%arg7 : memref<16384xf32, #tpu.memory_space<vmem>>) dst(%dma_wait3A_87 : memref<16384xf32, #tpu.memory_space<hbm>>)
      %dma_wait3A_88 = tpu.memref_slice %arg4[%mul3A_83] : memref<1638400xf32, #tpu.memory_space<hbm>> -> memref<16384xf32, #tpu.memory_space<hbm>>
      %dma_wait3A_89 = tpu.memref_slice %arg4[%mul3A_83] : memref<1638400xf32, #tpu.memory_space<hbm>> -> memref<16384xf32, #tpu.memory_space<hbm>>
      tpu.wait_dma2 semaphore(%arg13 : memref<!tpu.dma_semaphore, #tpu.memory_space<semaphore_mem>>) src(%arg8 : memref<16384xf32, #tpu.memory_space<vmem>>) dst(%dma_wait3A_89 : memref<16384xf32, #tpu.memory_space<hbm>>)
    } else {
    }
    return
  }
}

module attributes {stable_mosaic.version = 14 : i64} {
  func.func @_table_body(%arg0: memref<50x757xf32, #tpu.memory_space<vmem>>, %arg1: memref<30x50xf32, #tpu.memory_space<vmem>>, %arg2: memref<1x30xf32, #tpu.memory_space<vmem>>, %arg3: memref<1x30xf32, #tpu.memory_space<vmem>>, %arg4: memref<1x1xf32, #tpu.memory_space<vmem>>, %arg5: memref<768xf32, #tpu.memory_space<vmem>>) attributes {dimension_semantics = [], scalar_prefetch = 0 : i64, scratch_operands = 0 : i64, tpu.core_type = #tpu.core_type<tc>} {
    %get3A = arith.constant 0 : index
    %get3A_0 = arith.constant 0 : index
    %get3A_1 = vector.load %arg3[%get3A, %get3A_0] : memref<1x30xf32, #tpu.memory_space<vmem>>, vector<1x30xf32>
    %get3A_2 = arith.constant 0 : index
    %get3A_3 = arith.constant 0 : index
    %get3A_4 = vector.load %arg1[%get3A_2, %get3A_3] : memref<30x50xf32, #tpu.memory_space<vmem>>, vector<30x50xf32>
    %dot_general3A = arith.constant dense<0.000000e+00> : vector<1x50xf32>
    %dot_general3A_5 = tpu.matmul %get3A_1, %get3A_4, %dot_general3A {dimension_numbers = #tpu.dot_dimension_numbers<[1], [0], [0], [1], [0, 0, 1, 1], [], []>, precision = #tpu.contract_precision<fp32>, transpose_lhs_hint = false} : vector<1x30xf32>, vector<30x50xf32>, vector<1x50xf32> -> vector<1x50xf32>
    %get3A_6 = arith.constant 0 : index
    %get3A_7 = arith.constant 0 : index
    %get3A_8 = vector.load %arg3[%get3A_6, %get3A_7] : memref<1x30xf32, #tpu.memory_space<vmem>>, vector<1x30xf32>
    %get3A_9 = arith.constant 0 : index
    %get3A_10 = arith.constant 0 : index
    %get3A_11 = vector.load %arg2[%get3A_9, %get3A_10] : memref<1x30xf32, #tpu.memory_space<vmem>>, vector<1x30xf32>
    %dot_general3A_12 = arith.constant dense<0.000000e+00> : vector<1x1xf32>
    %dot_general3A_13 = tpu.matmul %get3A_8, %get3A_11, %dot_general3A_12 {dimension_numbers = #tpu.dot_dimension_numbers<[1], [1], [0], [0], [0, 0, 1, 0], [], []>, precision = #tpu.contract_precision<fp32>, transpose_lhs_hint = false} : vector<1x30xf32>, vector<1x30xf32>, vector<1x1xf32> -> vector<1x1xf32>
    %get3A_14 = arith.constant 0 : index
    %get3A_15 = arith.constant 0 : index
    %get3A_16 = vector.load %arg0[%get3A_14, %get3A_15] : memref<50x757xf32, #tpu.memory_space<vmem>>, vector<50x757xf32>
    %dot_general3A_17 = arith.constant dense<0.000000e+00> : vector<1x757xf32>
    %dot_general3A_18 = tpu.matmul %dot_general3A_5, %get3A_16, %dot_general3A_17 {dimension_numbers = #tpu.dot_dimension_numbers<[1], [0], [0], [1], [0, 0, 1, 1], [], []>, precision = #tpu.contract_precision<fp32>, transpose_lhs_hint = false} : vector<1x50xf32>, vector<50x757xf32>, vector<1x757xf32> -> vector<1x757xf32>
    %add3A = vector.broadcast %dot_general3A_13 : vector<1x1xf32> to vector<1x757xf32>
    %add3A_19 = arith.addf %dot_general3A_18, %add3A : vector<1x757xf32>
    %get3A_20 = arith.constant 0 : index
    %get3A_21 = arith.constant 0 : index
    %get3A_22 = vector.load %arg4[%get3A_20, %get3A_21] : memref<1x1xf32, #tpu.memory_space<vmem>>, vector<1x1xf32>
    %add3A_23 = vector.broadcast %get3A_22 : vector<1x1xf32> to vector<1x757xf32>
    %add3A_24 = arith.addf %add3A_19, %add3A_23 : vector<1x757xf32>
    %squeeze3A = vector.shape_cast %add3A_24 : vector<1x757xf32> to vector<757xf32>
    %swap3A = arith.constant 0 : index
    %swap3A_25 = vector.load %arg5[%swap3A] : memref<768xf32, #tpu.memory_space<vmem>>, vector<757xf32>
    tpu.vector_store %arg5[%swap3A], %squeeze3A {strides = array<i32>} : memref<768xf32, #tpu.memory_space<vmem>>, vector<757xf32>,
    return
  }
}

</mosaic_0001>

<sc_bundles>
// kernel: kernel.4.cloned.1.call-start
scs
__scs_entry_jumppad:
0x0: {  	(pc) =	sbr.rel $0x88, $3  }
0x1: {  	(tag) =	ssettag $0x0;
	lr =	simm.s32 $0x1  }
0x2: {  	[smem:$0x3F9B] =	sst lr;
	_ =	strace $0xD0000000  }
0x3: {  	_ = 	snop  }
0x4: {  	_ = 	snop  }
0x5: {  	_ = 	snop  }
0x6: {  	_ = 	snop  }
0x7: {  	_ = 	snop  }
__scs_overlays_trampoline_lowered:
0x8: {  	[smem:$0x3FAA] =	sst s0  }
0x9: {  	[smem:$0x3FAB] =	sst s1  }
0xa: {  	[smem:$0x3FAC] =	sst s2  }
0xb: {  	[smem:$0x3FAD] =	sst s3  }
0xc: {  	[smem:$0x3FAE] =	sst s4  }
0xd: {  	[smem:$0x3FAF] =	sst s5  }
0xe: {  	[smem:$0x3FB0] =	sst s6  }
0xf: {  	[smem:$0x3FB1] =	sst s7  }
0x10: {  	[smem:$0x3FB2] =	sst s8  }
0x11: {  	[smem:$0x3FB3] =	sst s9;
	s0 =	simm.s32 @!p0 $0x0  }
0x12: {  	s1 =	sld [smem:$0x3F99];
	s0 =	simm.s32 @p0 $0x1  }
0x13: {  	[smem:$0x3FB4] =	sst s0;
	s0 =	simm.s32 @!p1 $0x0  }
0x14: {  	s2 =	sld [smem:$0x3F98];
	s0 =	simm.s32 @p1 $0x1  }
0x15: {  	[smem:$0x3FB5] =	sst s0;
	s0 =	simm.s32 @!p2 $0x0  }
0x16: {  	s3 =	sld [smem:$0x3FDB];
	s0 =	simm.s32 @p2 $0x1  }
0x17: {  	s4 =	simm.s32 $0x1BF5;
	[smem:$0x3FB7] =	sst s0  }
0x18: {  	s0 =	sld [smem:$0x3F9A];
	_ =	swait.ge [sflag:s4], $0x0  }
0x19: {  	s7 =	sld [smem:$0x3F9B]  }
0x1a: {  	s8 =	sadd.s32 $0xFFFFE003, lr  }
0x1b: {  	s9 =	sadd.s32 $0xFFFFFEF7, lr;
	s5 =	simm.s32 $0xFFFFFFFF;
	p2 =	slt.u32 s8, $0xFFFFF086  }
0x1c: {  	p1 =	slt.u32 s9, $0xF7A;
	s5 =	simm.s32 @!p2 $0x0  }
0x1d: {  	s5 =	simm.s32 @p1 $0x1;
	p0 =	seq.s32 s7, s2  }
0x1e: {  	s7 =	smul.u32 @!p0 $0xF7A, s2;
	p2 =	seq.s32 @!p0 s5, $0x0  }
0x1f: {  	s9 =	smul.u32 $0xF7A, s1;
	s8 =	simm.s32 @!p0 $0x1BF5;
	p2 =	por !p2, p0  }
0x20: {  	[sflag:s8] =	ssyncset.s32 @!p0 $0xFFFFF086;
	s6 =	sadd.s32 @!p0 s3, s7;
	s7 =	simm.s32 @!p0 $0x108  }
0x21: {  	s3 =	sadd.s32 s3, s9;
	s6 =	sadd.s32 @!p0 $0x88, s6;
	s7 =	simm.s32 @p2 $0x1082  }
0x22: {  	[simem:s7], [sflag:s8] =	dma.local @!p0 [hbm:s6], $0xF7A  }
0x23: {  	s9 =	sor.u32 $0xD0000000, s2;
	s6 =	simm.s32 $0x108;
	_ =	swait.ge @!p0 [sflag:s8], $0x0  }
0x24: {  	s3 =	sadd.s32 $0x88, s3;
	s6 =	simm.s32 @!p1 $0x1082;
	[sflag:s4] =	ssyncset.s32 $0xFFFFF086  }
0x25: {  	[simem:s6], [sflag:s4] =	dma.local [hbm:s3], $0xF7A  }
0x26: {  	[smem:$0x3F9B] =	sst s1;
	(tag) =	ssettag s2;
	_ =	strace s9  }
0x27: {  	s1 =	sld [smem:$0x3FAB]  }
0x28: {  	s2 =	sld [smem:$0x3FAC]  }
0x29: {  	s4 =	sld [smem:$0x3FAE]  }
0x2a: {  	p0 =	seq.s32 s5, $0x0;
	s5 =	sld [smem:$0x3FAF]  }
0x2b: {  	s6 =	sld [smem:$0x3FB0]  }
0x2c: {  	s7 =	sld [smem:$0x3FB1]  }
0x2d: {  	s3 =	simm.s32 $0x108;
	s8 =	sld [smem:$0x3FB2]  }
0x2e: {  	s3 =	simm.s32 @!p0 $0x1082;
	s9 =	sld [smem:$0x3FB3]  }
0x2f: {  	lr =	sadd.s32 s0, s3;
	s0 =	sld [smem:$0x3FAA]  }
0x30: {  	s3 =	sld [smem:$0x3FAD]  }
0x31: {  	[smem:$0x3FB6] =	sst s10  }
0x32: {  	s10 =	sld [smem:$0x3FB4];
	_ =	sdelay $0x3  }
0x33: {  	p0 =	seq.s32 s10, $0x1;
	s10 =	sld [smem:$0x3FB6];
	_ =	sdelay $0x3  }
0x34: {  	[smem:$0x3FB6] =	sst s10  }
0x35: {  	s10 =	sld [smem:$0x3FB5];
	_ =	sdelay $0x3  }
0x36: {  	p1 =	seq.s32 s10, $0x1;
	s10 =	sld [smem:$0x3FB6];
	_ =	sdelay $0x3  }
0x37: {  	[smem:$0x3FB6] =	sst s10  }
0x38: {  	s10 =	sld [smem:$0x3FB7]  }
0x39: {  	_ = 	snop;
	(pc) =	sbr.ind lr, $3  }
0x3a: {  	_ = 	snop  }
0x3b: {  	_ = 	snop  }
0x3c: {  	p2 =	seq.s32 s10, $0x1;
	s10 =	sld [smem:$0x3FB6]  }
0x3d: {  	_ =	shalt  }
0x3e: {  	_ =	shalt  }
0x3f: {  	_ =	shalt  }
0x40: {  	_ =	shalt  }
0x41: {  	_ =	shalt  }
0x42: {  	_ =	shalt  }
0x43: {  	_ =	shalt  }
0x44: {  	_ =	shalt  }
0x45: {  	_ =	shalt  }
0x46: {  	_ =	shalt  }
0x47: {  	_ =	shalt  }
0x48: {  	_ =	shalt  }
0x49: {  	_ =	shalt  }
0x4a: {  	_ =	shalt  }
0x4b: {  	_ =	shalt  }
0x4c: {  	_ =	shalt  }
0x4d: {  	_ =	shalt  }
0x4e: {  	_ =	shalt  }
0x4f: {  	_ =	shalt  }
0x50: {  	_ =	shalt  }
0x51: {  	_ =	shalt  }
0x52: {  	_ =	shalt  }
0x53: {  	_ =	shalt  }
0x54: {  	_ =	shalt  }
0x55: {  	_ =	shalt  }
0x56: {  	_ =	shalt  }
0x57: {  	_ =	shalt  }
0x58: {  	_ =	shalt  }
0x59: {  	_ =	shalt  }
0x5a: {  	_ =	shalt  }
0x5b: {  	_ =	shalt  }
0x5c: {  	_ =	shalt  }
0x5d: {  	_ =	shalt  }
0x5e: {  	_ =	shalt  }
0x5f: {  	_ =	shalt  }
0x60: {  	_ =	shalt  }
0x61: {  	_ =	shalt  }
0x62: {  	_ =	shalt  }
0x63: {  	_ =	shalt  }
0x64: {  	_ =	shalt  }
0x65: {  	_ =	shalt  }
0x66: {  	_ =	shalt  }
0x67: {  	_ =	shalt  }
0x68: {  	_ =	shalt  }
0x69: {  	_ =	shalt  }
0x6a: {  	_ =	shalt  }
0x6b: {  	_ =	shalt  }
0x6c: {  	_ =	shalt  }
0x6d: {  	_ =	shalt  }
0x6e: {  	_ =	shalt  }
0x6f: {  	_ =	shalt  }
0x70: {  	_ =	shalt  }
0x71: {  	_ =	shalt  }
0x72: {  	_ =	shalt  }
0x73: {  	_ =	shalt  }
0x74: {  	_ =	shalt  }
0x75: {  	_ =	shalt  }
0x76: {  	_ =	shalt  }
0x77: {  	_ =	shalt  }
0x78: {  	_ =	shalt  }
0x79: {  	_ =	shalt  }
0x7a: {  	_ =	shalt  }
0x7b: {  	_ =	shalt  }
0x7c: {  	_ =	shalt  }
0x7d: {  	_ =	shalt  }
0x7e: {  	_ =	shalt  }
0x7f: {  	_ =	shalt  }
0x80: {  	_ =	shalt  }
0x81: {  	_ =	shalt  }
0x82: {  	_ =	shalt  }
0x83: {  	_ =	shalt  }
0x84: {  	_ =	shalt  }
0x85: {  	_ =	shalt  }
0x86: {  	_ =	shalt  }
0x87: {  	_ =	shalt  }
.Lfunc_end0:
.L_simem_size_0:
called_computation_lowered:
.L_overlay_start_0:
0x88: {  	s2 =	sld [smem:$0x3FD9]  }
0x89: {  	s3 =	sld [smem:$0x3FFE];
	_ =	sdelay $0x1  }
0x8a: {  	s1 =	srdreg.scid  }
0x8b: {  	s0 =	sand.u32 $0x1, s1  }
0x8c: {  	s17 =	sshll.u32 s0, $0xA;
	s2 =	sadd.s32 s3, s2  }
0x8d: {  	s2 =	sadd.s32 s2, s17  }
0x8e: {  	[smem:$0x3FC2] =	sst s2  }
0x8f: {  	_ = 	snop  }
0x90: {  	s2 =	sld [smem:$0x3FC9]  }
0x91: {  	s18 =	sld [smem:$0x3FD0];
	(tm) =	ssettm $0x1  }
0x92: {  	s4 =	sld [smem:$0x3FFB];
	_ =	sdelay $0x3  }
0x93: {  	_ =	strace s4  }
0x94: {  	s4 =	sld [smem:$0x3FFC];
	_ =	sdelay $0x3  }
0x95: {  	_ =	strace s4  }
0x96: {  	s4 =	sld [smem:$0x3FFD];
	_ =	sdelay $0x3  }
0x97: {  	_ =	strace s4  }
0x98: {  	_ =	strace $0x8FFFFFFF  }
0x99: {  	s19 =	sld [smem:$0x3FDB];
	_ =	sdelay $0x1  }
0x9a: {  	s5 =	simm.s32 $_scs_section_size  }
0x9b: {  	s6 =	simm.s32 $_size__tile_overlayer_lowered;
	s7 =	simm.s32 $_tile_overlayer_lowered  }
0x9c: {  	s22 =	simm.s32 $0x1BFF;
	s21 =	sshll.u32 s7, $0x1;
	s4 =	sadd.s32 s5, s19  }
0x9d: {  	s8 =	simm.s32 $0x0;
	s20 =	sshll.u32 s6, $0x1;
	s6 =	sadd.s32 s21, s4  }
0x9e: {  	[timem:s8], [sflag:s22] =	dma.local [hbm:s6], s20  }
0x9f: {  	_ =	swait.ge [sflag:s22], s20  }
0xa0: {  	s5 =	ssub.s32 $0x0, s20;
	[sflag:s22] =	ssyncset.done $0x0  }
0xa1: {  	[sflag:s22] =	ssyncadd.s32 s5;
	_ =	sdelay $0x1  }
0xa2: {  	s23 =	simm.s32 $0x1B8B  }
0xa3: {  	_ =	swait.ge [sflag:s23], $0x1  }
0xa4: {  	[sflag:s23] =	ssyncset.done $0x0  }
0xa5: {  	s25 =	simm.s32 $0x1B8E;
	s24 =	sld [smem:$0x3FFE];
	[sflag:s23] =	ssyncadd.s32 $0xFFFFFFFF  }
0xa6: {  	s26 =	simm.s32 $execute0_lowered;
	[smem:$0x3FD2] =	sst s25  }
0xa7: {  	s6 =	sshll.u32 s26, $0x1;
	_ =	strace $0x80000046;
	[dreg:$0x1] =	wrdreg $0xFFFFFFFF  }
0xa8: {  	s28 =	simm.s32 $_size_execute0_lowered;
	s4 =	sadd.s32 s4, s6;
	[dreg:$0x0] =	wrdreg $0x0  }
0xa9: {  	s6 =	sshll.u32 s28, $0x1;
	[dreg:$0x2] =	wrdreg s4  }
0xaa: {  	[dreg:$0x3] =	wrdreg s6  }
0xab: {  	[dreg:$0x4] =	wrdreg $0xC0  }
0xac: {  	_ =	task [dreg:s8], $0x5FFFF  }
0xad: {  	[dreg:$0x1] =	wrdreg $0xFFFFFFFF  }
0xae: {  	[dreg:$0x0] =	wrdreg $0x60  }
0xaf: {  	[dreg:$0x2] =	wrdreg s24  }
0xb0: {  	[dreg:$0x3] =	wrdreg s2  }
0xb1: {  	[dreg:$0x4] =	wrdreg s18  }
0xb2: {  	[dreg:$0x5] =	wrdreg $0x9  }
0xb3: {  	_ =	task.clear_ibuf [dreg:s8], $0x6FFFF;
	_ =	strace $0x90000046  }
0xb4: {  	s29 =	simm.s32 $0x9;
	_ =	strace $0x80000048  }
0xb5: {  	_ =	swait.ge [sflag:s29], $0x1  }
0xb6: {  	[sflag:s29] =	ssyncadd.s32 $0xFFFFFFFF  }
0xb7: {  	_ =	strace $0x90000048  }
0xb8: {  	_ =	sfence  }
0xb9: {  	s30 =	sld [smem:$0x0];
	_ =	sdelay $0x2  }
0xba: {  	s31 =	sshll.u32 s1, $0xD;
	s1 =	sshrl.u32 s1, $0x2  }
0xbb: {  	s3 =	sand.u32 $0x4000, s31;
	s1 =	sadd.s32 s1, s30  }
0xbc: {  	s0 =	sor.u32 s3, s0;
	s1 =	sshll.u32 s1, $0x11  }
0xbd: {  	s0 =	sor.u32 s1, s0  }
0xbe: {  	s0 =	sadd.s32 $0x8F2B, s0  }
0xbf: {  	[sflag:s0] =	ssyncadd.remote.s32 $0x1  }
0xc0: {  	_ =	sfence.sel $0xFFFF  }
0xc1: {  	[dreg:$0x0] =	wrdreg $0xFFFFFFFF;
	(pc) =	sbr.abs _section_cstart, $3  }
0xc2: {  	[dreg:$0x1] =	wrdreg $0xFFFFFFFF  }
0xc3: {  	_ =	task.clear_ibuf [dreg:s8], $0x2FFFF;
	_ =	strace $0x9FFFFFFF  }
0xc4: {  	(tm) =	ssettm $0x7FFFFFFF  }
0xc5: {  	_ =	shalt  }
tec
execute0_lowered:
.L_overlay_start_1:
0x0: {  	(tag) =	ssettag $0x1  }
0x1: {  	s1 =	srdreg.scid;
	s0 =	stileid.u32  }
0x2: {  	s8 =	sand.u32 $0x1, s1;
	s4 =	sshll.u32 s0, $0x1  }
0x3: {  	s6 =	sor.u32 s8, s4  }
0x4: {  	p0 =	sgt.u32 s6, $0x18  }
.Ltmp0:
0x5: {  	s3 =	rddreg [dreg:$0x0];
	(pc) =	sbr.rel @p0 .LBB2_11-.Ltmp0, $4  }
0x6: {  	s9 =	rddreg [dreg:$0x1]  }
0x7: {  	s11 =	rddreg [dreg:$0x2];
	s2 =	simm.s32 $0x0  }
0x8: {  	[smem:$0x7FF] =	sst s2  }
0x9: {  	s1 =	rddreg [dreg:$0x3];
	_ =	strace $0x80000047  }
0xa: {  	s4 =	sshll.u32 s6, $0x2  }
0xb: {  	s10 =	sshll.u32 s0, $0x11;
	s5 =	sshll.u32 s8, $0x9;
	s3 =	sadd.s32 $0xE00, s3  }
0xc: {  	s14 =	sshllo.u32 s6, $0x2;
	s25 =	sshll.u32 s6, $0xD;
	s26 =	ssub.s32 $0x2, s8  }
0xd: {  	s16 =	simm.s32 $0x400;
	s17 =	simm.s32 $0x4000;
	s18 =	simm.s32 $0x1  }
0xe: {  	s19 =	simm.s32 $0x8000;
	s20 =	simm.s32 $0x2;
	s21 =	simm.s32 $0xC000  }
0xf: {  	s22 =	simm.s32 $0x3;
	s12 =	sor.u32 $0x1, s4;
	s5 =	sor.u32 s5, s10  }
0x10: {  	s13 =	sor.u32 $0x2, s4;
	s15 =	sshll.u32 s14, $0x7;
	s6 =	sadd.s32 s11, s25  }
0x11: {  	s28 =	sshrl.u32 s26, $0x1;
	s30 =	sshll.u32 s14, $0xB;
	s14 =	simm.s32 $0x5  }
0x12: {  	s7 =	sshll.u32 s12, $0x7;
	s5 =	sshrl.u32 s5, $0x3;
	s24 =	sshll.u32 s13, $0x7  }
0x13: {  	s15 =	sand.u32 $0x380, s15;
	s12 =	sshll.u32 s12, $0xB;
	s29 =	sshll.u32 s13, $0xB  }
0x14: {  	s31 =	ssub.s32 s26, s28;
	s13 =	simm.s32 $0x10000;
	s7 =	sand.u32 $0x280, s7  }
0x15: {  	s4 =	sadd.s32 s9, s5;
	s8 =	sadd.s32 s11, s12;
	s12 =	smax.u32 s31, $0x1  }
0x16: {  	s23 =	sor.u32 s10, s7;
	s7 =	sand.u32 $0x300, s24;
	s24 =	simm.s32 $0x0  }
0x17: {  	s5 =	sshrl.u32 s23, $0x3;
	s7 =	sor.u32 s10, s7;
	s10 =	sor.u32 s10, s15  }
0x18: {  	s15 =	simm.s32 $0x80;
	s23 =	simm.s32 $0x4;
	s7 =	sshrl.u32 s7, $0x3  }
0x19: {  	s5 =	sadd.s32 s9, s5;
	s10 =	sshrl.u32 s10, $0x3;
	s7 =	sadd.s32 s9, s7  }
0x1a: {  	s9 =	sadd.s32 s9, s10;
	s10 =	sadd.s32 s11, s29;
	s11 =	sadd.s32 s11, s30  }
.LBB2_2:
0x1b: {  	[tilespmem:s13], [sflag:$0x5] =	stream.linear.gather [hbm4b:s3+s2], $0x300, $0x38;
	[tilespmem:$0x10300] =	vst v63  }
0x1c: {  	_ =	swait.ge [sflag:s14], $0x300  }
0x1d: {  	[sflag:s14] =	ssyncset.done $0x0  }
0x1e: {  	[sflag:s14] =	ssyncadd.s32 $0xFFFFFD00  }
0x1f: {  	[tilespmem:s2], [sflag:$0x1] =	stream.strided.gather [hbm4b:s4+s15], $0x4000, s16, s15, $0x38;
	[tilespmem:$0x10300] =	vst v63  }
0x20: {  	_ = 	snop  }
0x21: {  	[tilespmem:s17], [sflag:$0x2] =	stream.strided.gather [hbm4b:s5+s15], $0x4000, s16, s15, $0x38;
	[tilespmem:$0x10300] =	vst v63  }
0x22: {  	_ =	swait.ge [sflag:s18], $0x4000  }
0x23: {  	[sflag:s18] =	ssyncset.done $0x0  }
0x24: {  	s25 =	simm.s32 $0x40;
	[sflag:s18] =	ssyncadd.s32 $0xFFFFC000  }
0x25: {  	v0 =	vld [tilespmem:s25+$0x30]  }
0x26: {  	v1 =	vld [tilespmem:s25+$0xFFFFFFD0]  }
0x27: {  	v2 =	vld [tilespmem:s25+$0xFFFFFFE0]  }
0x28: {  	v3 =	vld [tilespmem:s25+$0xFFFFFFF0]  }
0x29: {  	v4 =	vld [tilespmem:s25+$0x0]  }
0x2a: {  	v6 =	vld [tilespmem:s25+$0x10]  }
0x2b: {  	v7 =	vld [tilespmem:s25+$0x20]  }
0x2c: {  	v8 =	vld [tilespmem:s25+$0xFFFFFFC0]  }
0x2d: {  	v9 =	vld.idx.msk [tilespmem:v0+s13+$0x0], $0xffff  }
0x2e: {  	v10 =	vld.idx.msk [tilespmem:v1+s13+$0x0], $0xffff  }
0x2f: {  	v5 =	vld.idx.msk [tilespmem:v2+s13+$0x0], $0xffff  }
0x30: {  	v3 =	vld.idx.msk [tilespmem:v3+s13+$0x0], $0xffff  }
0x31: {  	v0 =	vld.idx.msk [tilespmem:v4+s13+$0x0], $0xffff  }
0x32: {  	s25 =	simm.s32 $0x8040;
	v1 =	vld.idx.msk [tilespmem:v6+s13+$0x0], $0xffff  }
0x33: {  	v2 =	vld.idx.msk [tilespmem:v7+s13+$0x0], $0xffff;
	[tilespmem:s25+$0x30] =	vst v9  }
0x34: {  	s26 =	simm.s32 $0x0;
	s28 =	simm.s32 $0xC0;
	v4 =	vld.idx.msk [tilespmem:v8+s13+$0x0], $0xffff;
	[tilespmem:s25+$0xFFFFFFD0] =	vst v10  }
.LBB2_3:
0x35: {  	v6 =	vld [tilespmem:s28+$0x30];
	s26 =	sadd.s32 $0x80, s26;
	[tilespmem:s25+$0xFFFFFFE0] =	vst v5  }
0x36: {  	v5 =	vld [tilespmem:s28+$0xFFFFFFD0];
	p0 =	slt.u32 s26, $0x3F80;
	[tilespmem:s25+$0xFFFFFFF0] =	vst v3  }
0x37: {  	v3 =	vld [tilespmem:s28+$0xFFFFFFE0];
	[tilespmem:s25+$0x0] =	vst v0  }
0x38: {  	v0 =	vld [tilespmem:s28+$0xFFFFFFF0];
	[tilespmem:s25+$0x10] =	vst v1  }
0x39: {  	v1 =	vld [tilespmem:s28+$0x0];
	[tilespmem:s25+$0x20] =	vst v2  }
0x3a: {  	v2 =	vld [tilespmem:s28+$0x10];
	[tilespmem:s25+$0xFFFFFFC0] =	vst v4  }
0x3b: {  	v4 =	vld [tilespmem:s28+$0x20]  }
0x3c: {  	v7 =	vld [tilespmem:s28+$0xFFFFFFC0]  }
0x3d: {  	v6 =	vld.idx.msk [tilespmem:v6+s13+$0x0], $0xffff  }
0x3e: {  	v8 =	vld.idx.msk [tilespmem:v5+s13+$0x0], $0xffff  }
0x3f: {  	v5 =	vld.idx.msk [tilespmem:v3+s13+$0x0], $0xffff  }
.Ltmp1:
0x40: {  	v3 =	vld.idx.msk [tilespmem:v0+s13+$0x0], $0xffff;
	(pc) =	sbr.rel @p0 .LBB2_3-.Ltmp1, $4  }
0x41: {  	v0 =	vld.idx.msk [tilespmem:v1+s13+$0x0], $0xffff  }
0x42: {  	s25 =	sadd.s32 $0x80, s25;
	v1 =	vld.idx.msk [tilespmem:v2+s13+$0x0], $0xffff  }
0x43: {  	v2 =	vld.idx.msk [tilespmem:v4+s13+$0x0], $0xffff;
	[tilespmem:s25+$0x30] =	vst v6  }
0x44: {  	s28 =	sadd.s32 $0x80, s28;
	v4 =	vld.idx.msk [tilespmem:v7+s13+$0x0], $0xffff;
	[tilespmem:s25+$0xFFFFFFD0] =	vst v8  }
0x45: {  	[tilespmem:s25+$0xFFFFFFE0] =	vst v5  }
0x46: {  	[tilespmem:s25+$0xFFFFFFF0] =	vst v3  }
0x47: {  	[tilespmem:s25+$0x0] =	vst v0  }
0x48: {  	[tilespmem:s25+$0x10] =	vst v1  }
0x49: {  	[tilespmem:s25+$0x20] =	vst v2  }
0x4a: {  	[tilespmem:s25+$0xFFFFFFC0] =	vst v4  }
0x4b: {  	[hbm4b:s6+s2] =	stream.linear.scatter [tilespmem:s19], [sflag:$0x3], $0x4000, $0x38;
	[tilespmem:$0x10300] =	vst v63  }
0x4c: {  	_ = 	snop  }
0x4d: {  	[tilespmem:s2], [sflag:$0x1] =	stream.strided.gather [hbm4b:s7+s15], $0x4000, s16, s15, $0x38;
	[tilespmem:$0x10300] =	vst v63  }
0x4e: {  	_ =	swait.ge [sflag:s20], $0x4000  }
0x4f: {  	[sflag:s20] =	ssyncset.done $0x0  }
0x50: {  	s31 =	simm.s32 $0x4040;
	[sflag:s20] =	ssyncadd.s32 $0xFFFFC000  }
0x51: {  	v0 =	vld [tilespmem:s31+$0x30]  }
0x52: {  	v1 =	vld [tilespmem:s31+$0xFFFFFFD0]  }
0x53: {  	v2 =	vld [tilespmem:s31+$0xFFFFFFE0]  }
0x54: {  	v3 =	vld [tilespmem:s31+$0xFFFFFFF0]  }
0x55: {  	v4 =	vld [tilespmem:s31+$0x0]  }
0x56: {  	v6 =	vld [tilespmem:s31+$0x10]  }
0x57: {  	v7 =	vld [tilespmem:s31+$0x20]  }
0x58: {  	v8 =	vld [tilespmem:s31+$0xFFFFFFC0]  }
0x59: {  	v9 =	vld.idx.msk [tilespmem:v0+s13+$0x0], $0xffff  }
0x5a: {  	v10 =	vld.idx.msk [tilespmem:v1+s13+$0x0], $0xffff  }
0x5b: {  	v5 =	vld.idx.msk [tilespmem:v2+s13+$0x0], $0xffff  }
0x5c: {  	v3 =	vld.idx.msk [tilespmem:v3+s13+$0x0], $0xffff  }
0x5d: {  	v0 =	vld.idx.msk [tilespmem:v4+s13+$0x0], $0xffff  }
0x5e: {  	s25 =	simm.s32 $0xC040;
	v1 =	vld.idx.msk [tilespmem:v6+s13+$0x0], $0xffff  }
0x5f: {  	v2 =	vld.idx.msk [tilespmem:v7+s13+$0x0], $0xffff;
	[tilespmem:s25+$0x30] =	vst v9  }
0x60: {  	s26 =	simm.s32 $0x0;
	s28 =	simm.s32 $0x40C0;
	v4 =	vld.idx.msk [tilespmem:v8+s13+$0x0], $0xffff;
	[tilespmem:s25+$0xFFFFFFD0] =	vst v10  }
.LBB2_5:
0x61: {  	v6 =	vld [tilespmem:s28+$0x30];
	s26 =	sadd.s32 $0x80, s26;
	[tilespmem:s25+$0xFFFFFFE0] =	vst v5  }
0x62: {  	v5 =	vld [tilespmem:s28+$0xFFFFFFD0];
	p0 =	slt.u32 s26, $0x3F80;
	[tilespmem:s25+$0xFFFFFFF0] =	vst v3  }
0x63: {  	v3 =	vld [tilespmem:s28+$0xFFFFFFE0];
	[tilespmem:s25+$0x0] =	vst v0  }
0x64: {  	v0 =	vld [tilespmem:s28+$0xFFFFFFF0];
	[tilespmem:s25+$0x10] =	vst v1  }
0x65: {  	v1 =	vld [tilespmem:s28+$0x0];
	[tilespmem:s25+$0x20] =	vst v2  }
0x66: {  	v2 =	vld [tilespmem:s28+$0x10];
	[tilespmem:s25+$0xFFFFFFC0] =	vst v4  }
0x67: {  	v4 =	vld [tilespmem:s28+$0x20]  }
0x68: {  	v7 =	vld [tilespmem:s28+$0xFFFFFFC0]  }
0x69: {  	v6 =	vld.idx.msk [tilespmem:v6+s13+$0x0], $0xffff  }
0x6a: {  	v8 =	vld.idx.msk [tilespmem:v5+s13+$0x0], $0xffff  }
0x6b: {  	v5 =	vld.idx.msk [tilespmem:v3+s13+$0x0], $0xffff  }
.Ltmp2:
0x6c: {  	v3 =	vld.idx.msk [tilespmem:v0+s13+$0x0], $0xffff;
	(pc) =	sbr.rel @p0 .LBB2_5-.Ltmp2, $4  }
0x6d: {  	v0 =	vld.idx.msk [tilespmem:v1+s13+$0x0], $0xffff  }
0x6e: {  	s25 =	sadd.s32 $0x80, s25;
	v1 =	vld.idx.msk [tilespmem:v2+s13+$0x0], $0xffff  }
0x6f: {  	v2 =	vld.idx.msk [tilespmem:v4+s13+$0x0], $0xffff;
	[tilespmem:s25+$0x30] =	vst v6  }
0x70: {  	s28 =	sadd.s32 $0x80, s28;
	v4 =	vld.idx.msk [tilespmem:v7+s13+$0x0], $0xffff;
	[tilespmem:s25+$0xFFFFFFD0] =	vst v8  }
0x71: {  	[tilespmem:s25+$0xFFFFFFE0] =	vst v5  }
0x72: {  	[tilespmem:s25+$0xFFFFFFF0] =	vst v3  }
0x73: {  	[tilespmem:s25+$0x0] =	vst v0  }
0x74: {  	[tilespmem:s25+$0x10] =	vst v1  }
0x75: {  	[tilespmem:s25+$0x20] =	vst v2  }
0x76: {  	[tilespmem:s25+$0xFFFFFFC0] =	vst v4  }
0x77: {  	[hbm4b:s8+s2] =	stream.linear.scatter [tilespmem:s21], [sflag:$0x4], $0x4000, $0x38;
	[tilespmem:$0x10300] =	vst v63  }
0x78: {  	_ = 	snop  }
0x79: {  	[tilespmem:s17], [sflag:$0x2] =	stream.strided.gather [hbm4b:s9+s15], $0x4000, s16, s15, $0x38;
	[tilespmem:$0x10300] =	vst v63  }
0x7a: {  	_ =	swait.ge [sflag:s18], $0x4000  }
0x7b: {  	[sflag:s18] =	ssyncset.done $0x0  }
0x7c: {  	[sflag:s18] =	ssyncadd.s32 $0xFFFFC000  }
0x7d: {  	_ =	swait.ge [sflag:s22], $0x4000  }
0x7e: {  	[sflag:s22] =	ssyncset.done $0x0  }
0x7f: {  	s31 =	simm.s32 $0x40;
	[sflag:s22] =	ssyncadd.s32 $0xFFFFC000  }
0x80: {  	v0 =	vld [tilespmem:s31+$0x30]  }
0x81: {  	v1 =	vld [tilespmem:s31+$0xFFFFFFD0]  }
0x82: {  	v2 =	vld [tilespmem:s31+$0xFFFFFFE0]  }
0x83: {  	v3 =	vld [tilespmem:s31+$0xFFFFFFF0]  }
0x84: {  	v4 =	vld [tilespmem:s31+$0x0]  }
0x85: {  	v6 =	vld [tilespmem:s31+$0x10]  }
0x86: {  	v7 =	vld [tilespmem:s31+$0x20]  }
0x87: {  	v8 =	vld [tilespmem:s31+$0xFFFFFFC0]  }
0x88: {  	v9 =	vld.idx.msk [tilespmem:v0+s13+$0x0], $0xffff  }
0x89: {  	v10 =	vld.idx.msk [tilespmem:v1+s13+$0x0], $0xffff  }
0x8a: {  	v5 =	vld.idx.msk [tilespmem:v2+s13+$0x0], $0xffff  }
0x8b: {  	v3 =	vld.idx.msk [tilespmem:v3+s13+$0x0], $0xffff  }
0x8c: {  	v0 =	vld.idx.msk [tilespmem:v4+s13+$0x0], $0xffff  }
0x8d: {  	s25 =	simm.s32 $0x8040;
	v1 =	vld.idx.msk [tilespmem:v6+s13+$0x0], $0xffff  }
0x8e: {  	v2 =	vld.idx.msk [tilespmem:v7+s13+$0x0], $0xffff;
	[tilespmem:s25+$0x30] =	vst v9  }
0x8f: {  	s26 =	simm.s32 $0x0;
	s28 =	simm.s32 $0xC0;
	v4 =	vld.idx.msk [tilespmem:v8+s13+$0x0], $0xffff;
	[tilespmem:s25+$0xFFFFFFD0] =	vst v10  }
.LBB2_7:
0x90: {  	v6 =	vld [tilespmem:s28+$0x30];
	s26 =	sadd.s32 $0x80, s26;
	[tilespmem:s25+$0xFFFFFFE0] =	vst v5  }
0x91: {  	v5 =	vld [tilespmem:s28+$0xFFFFFFD0];
	p0 =	slt.u32 s26, $0x3F80;
	[tilespmem:s25+$0xFFFFFFF0] =	vst v3  }
0x92: {  	v3 =	vld [tilespmem:s28+$0xFFFFFFE0];
	[tilespmem:s25+$0x0] =	vst v0  }
0x93: {  	v0 =	vld [tilespmem:s28+$0xFFFFFFF0];
	[tilespmem:s25+$0x10] =	vst v1  }
0x94: {  	v1 =	vld [tilespmem:s28+$0x0];
	[tilespmem:s25+$0x20] =	vst v2  }
0x95: {  	v2 =	vld [tilespmem:s28+$0x10];
	[tilespmem:s25+$0xFFFFFFC0] =	vst v4  }
0x96: {  	v4 =	vld [tilespmem:s28+$0x20]  }
0x97: {  	v7 =	vld [tilespmem:s28+$0xFFFFFFC0]  }
0x98: {  	v6 =	vld.idx.msk [tilespmem:v6+s13+$0x0], $0xffff  }
0x99: {  	v8 =	vld.idx.msk [tilespmem:v5+s13+$0x0], $0xffff  }
0x9a: {  	v5 =	vld.idx.msk [tilespmem:v3+s13+$0x0], $0xffff  }
.Ltmp3:
0x9b: {  	v3 =	vld.idx.msk [tilespmem:v0+s13+$0x0], $0xffff;
	(pc) =	sbr.rel @p0 .LBB2_7-.Ltmp3, $4  }
0x9c: {  	v0 =	vld.idx.msk [tilespmem:v1+s13+$0x0], $0xffff  }
0x9d: {  	s25 =	sadd.s32 $0x80, s25;
	v1 =	vld.idx.msk [tilespmem:v2+s13+$0x0], $0xffff  }
0x9e: {  	v2 =	vld.idx.msk [tilespmem:v4+s13+$0x0], $0xffff;
	[tilespmem:s25+$0x30] =	vst v6  }
0x9f: {  	s28 =	sadd.s32 $0x80, s28;
	v4 =	vld.idx.msk [tilespmem:v7+s13+$0x0], $0xffff;
	[tilespmem:s25+$0xFFFFFFD0] =	vst v8  }
0xa0: {  	[tilespmem:s25+$0xFFFFFFE0] =	vst v5  }
0xa1: {  	[tilespmem:s25+$0xFFFFFFF0] =	vst v3  }
0xa2: {  	[tilespmem:s25+$0x0] =	vst v0  }
0xa3: {  	[tilespmem:s25+$0x10] =	vst v1  }
0xa4: {  	[tilespmem:s25+$0x20] =	vst v2  }
0xa5: {  	[tilespmem:s25+$0xFFFFFFC0] =	vst v4  }
0xa6: {  	[hbm4b:s10+s2] =	stream.linear.scatter [tilespmem:s19], [sflag:$0x3], $0x4000, $0x38;
	[tilespmem:$0x10300] =	vst v63  }
0xa7: {  	_ =	swait.ge [sflag:s20], $0x4000  }
0xa8: {  	[sflag:s20] =	ssyncset.done $0x0  }
0xa9: {  	[sflag:s20] =	ssyncadd.s32 $0xFFFFC000  }
0xaa: {  	_ =	swait.ge [sflag:s23], $0x4000  }
0xab: {  	[sflag:s23] =	ssyncset.done $0x0  }
0xac: {  	s31 =	simm.s32 $0x4040;
	[sflag:s23] =	ssyncadd.s32 $0xFFFFC000  }
0xad: {  	v0 =	vld [tilespmem:s31+$0x30]  }
0xae: {  	v1 =	vld [tilespmem:s31+$0xFFFFFFD0]  }
0xaf: {  	v2 =	vld [tilespmem:s31+$0xFFFFFFE0]  }
0xb0: {  	v3 =	vld [tilespmem:s31+$0xFFFFFFF0]  }
0xb1: {  	v4 =	vld [tilespmem:s31+$0x0]  }
0xb2: {  	v6 =	vld [tilespmem:s31+$0x10]  }
0xb3: {  	v7 =	vld [tilespmem:s31+$0x20]  }
0xb4: {  	v8 =	vld [tilespmem:s31+$0xFFFFFFC0]  }
0xb5: {  	v9 =	vld.idx.msk [tilespmem:v0+s13+$0x0], $0xffff  }
0xb6: {  	v10 =	vld.idx.msk [tilespmem:v1+s13+$0x0], $0xffff  }
0xb7: {  	v5 =	vld.idx.msk [tilespmem:v2+s13+$0x0], $0xffff  }
0xb8: {  	v3 =	vld.idx.msk [tilespmem:v3+s13+$0x0], $0xffff  }
0xb9: {  	v0 =	vld.idx.msk [tilespmem:v4+s13+$0x0], $0xffff  }
0xba: {  	s25 =	simm.s32 $0xC040;
	v1 =	vld.idx.msk [tilespmem:v6+s13+$0x0], $0xffff  }
0xbb: {  	v2 =	vld.idx.msk [tilespmem:v7+s13+$0x0], $0xffff;
	[tilespmem:s25+$0x30] =	vst v9  }
0xbc: {  	s26 =	simm.s32 $0x0;
	s28 =	simm.s32 $0x40C0;
	v4 =	vld.idx.msk [tilespmem:v8+s13+$0x0], $0xffff;
	[tilespmem:s25+$0xFFFFFFD0] =	vst v10  }
.LBB2_9:
0xbd: {  	v6 =	vld [tilespmem:s28+$0x30];
	s26 =	sadd.s32 $0x80, s26;
	[tilespmem:s25+$0xFFFFFFE0] =	vst v5  }
0xbe: {  	v5 =	vld [tilespmem:s28+$0xFFFFFFD0];
	p0 =	slt.u32 s26, $0x3F80;
	[tilespmem:s25+$0xFFFFFFF0] =	vst v3  }
0xbf: {  	v3 =	vld [tilespmem:s28+$0xFFFFFFE0];
	[tilespmem:s25+$0x0] =	vst v0  }
0xc0: {  	v0 =	vld [tilespmem:s28+$0xFFFFFFF0];
	[tilespmem:s25+$0x10] =	vst v1  }
0xc1: {  	v1 =	vld [tilespmem:s28+$0x0];
	[tilespmem:s25+$0x20] =	vst v2  }
0xc2: {  	v2 =	vld [tilespmem:s28+$0x10];
	[tilespmem:s25+$0xFFFFFFC0] =	vst v4  }
0xc3: {  	v4 =	vld [tilespmem:s28+$0x20]  }
0xc4: {  	v7 =	vld [tilespmem:s28+$0xFFFFFFC0]  }
0xc5: {  	v6 =	vld.idx.msk [tilespmem:v6+s13+$0x0], $0xffff  }
0xc6: {  	v8 =	vld.idx.msk [tilespmem:v5+s13+$0x0], $0xffff  }
0xc7: {  	v5 =	vld.idx.msk [tilespmem:v3+s13+$0x0], $0xffff  }
.Ltmp4:
0xc8: {  	v3 =	vld.idx.msk [tilespmem:v0+s13+$0x0], $0xffff;
	(pc) =	sbr.rel @p0 .LBB2_9-.Ltmp4, $4  }
0xc9: {  	v0 =	vld.idx.msk [tilespmem:v1+s13+$0x0], $0xffff  }
0xca: {  	s25 =	sadd.s32 $0x80, s25;
	v1 =	vld.idx.msk [tilespmem:v2+s13+$0x0], $0xffff  }
0xcb: {  	v2 =	vld.idx.msk [tilespmem:v4+s13+$0x0], $0xffff;
	[tilespmem:s25+$0x30] =	vst v6  }
0xcc: {  	s28 =	sadd.s32 $0x80, s28;
	v4 =	vld.idx.msk [tilespmem:v7+s13+$0x0], $0xffff;
	[tilespmem:s25+$0xFFFFFFD0] =	vst v8  }
0xcd: {  	[tilespmem:s25+$0xFFFFFFE0] =	vst v5  }
0xce: {  	[tilespmem:s25+$0xFFFFFFF0] =	vst v3  }
0xcf: {  	[tilespmem:s25+$0x0] =	vst v0  }
0xd0: {  	[tilespmem:s25+$0x10] =	vst v1  }
0xd1: {  	[tilespmem:s25+$0x20] =	vst v2  }
0xd2: {  	s24 =	sadd.s32 $0x1, s24;
	[tilespmem:s25+$0xFFFFFFC0] =	vst v4  }
0xd3: {  	[hbm4b:s11+s2] =	stream.linear.scatter [tilespmem:s21], [sflag:$0x4], $0x4000, $0x38;
	[tilespmem:$0x10300] =	vst v63  }
0xd4: {  	p0 =	sne.s32 s24, s12;
	_ =	swait.ge [sflag:s22], $0x4000  }
.Ltmp5:
0xd5: {  	[sflag:s22] =	ssyncset.done $0x0;
	(pc) =	sbr.rel @p0 .LBB2_2-.Ltmp5, $4  }
0xd6: {  	[sflag:s22] =	ssyncadd.s32 $0xFFFFC000  }
0xd7: {  	_ =	swait.ge [sflag:s23], $0x4000  }
0xd8: {  	[sflag:s23] =	ssyncset.done $0x0  }
0xd9: {  	[sflag:s23] =	ssyncadd.s32 $0xFFFFC000  }
.LBB2_11:
0xda: {  	_ =	sfence.sel $0x180000  }
0xdb: {  	[bflag:$0x0] =	sbarrier.arrive $0xFFFF  }
0xdc: {  	p0 =	sne.s32 s0, $0x0;
	_ =	strace $0x90000047  }
0xdd: {  	s0 =	sadd.s32 @!p0 $0x100000, s1;
	[bflag:$0x2] =	sbarrier.arrive $0xFFFF  }
0xde: {  	[sflag:s0] =	ssyncadd.tile.s32 @!p0 $0x1;
	_ =	shalt  }
.Lfunc_end2:
_tile_overlayer_lowered:
.L_overlay_start_2:
0xdf: {  	(tag) =	ssettag $0x2  }
0xe0: {  	s0 =	rddreg [dreg:$0x0];
	s2 =	stileid.u32  }
0xe1: {  	s1 =	rddreg [dreg:$0x1];
	p0 =	sne.s32 s2, $0x0  }
0xe2: {  	s3 =	rddreg [dreg:$0x2];
	[bflag:$0x3] =	sbarrier.arrive $0xFFFF;
	s2 =	simm.s32 @!p0 $0x1C05  }
0xe3: {  	[timem:s3], [sflag:s2] =	dma.local @!p0 [hbm:s0], s1  }
0xe4: {  	s0 =	simm.s32 @!p0 $0x5  }
0xe5: {  	_ =	swait.ge @!p0 [sflag:s0], s1  }
0xe6: {  	s1 =	ssub.s32 @!p0 $0x0, s1;
	[sflag:s0] =	ssyncset.done @!p0 $0x0  }
0xe7: {  	[sflag:s0] =	ssyncadd.s32 @!p0 s1  }
0xe8: {  	[bflag:$0x3] =	sbarrier.arrive $0xFFFF  }
0xe9: {  	_ =	shalt  }

</sc_bundles>
